<compile_context>
chip_gen: v7x
topology: tpu7x:2x2x1
jax: 0.10.2.dev20260603
libtpu: 0.0.44.dev20260713+nightly
codegen_flags: <defaults>
</compile_context>

<pallas_src>
import functools

import jax
import jax.numpy as jnp
from jax import lax
from jax.experimental import pallas as pl
from jax.experimental.pallas import tpu as pltpu
from jax.experimental.pallas import tpu_sc as plsc

N = 100000
E = 1600000
EMB = 16
POS = 16
DG = 16
DIN = 2 * EMB + POS
DCAT = DG + 2 * EMB
EPS = 1e-5

NCORE = 2
NS = 16
HG = DG // 2
EPW = E // NS
R = 80
SLAB = 125
NSLAB = EPW // (SLAB * R)
EPD = E // (NCORE * NS)
NCHD = EPD // R
NP = 100096
PS = NP // NS
CH = 368
NCH = PS // CH

BR = 2000
NB = N // BR

_SC_PARAMS = pltpu.CompilerParams(use_tc_tiling_on_sc=False)


def _mesh():
    return plsc.VectorSubcoreMesh(
        core_axis_name="c", subcore_axis_name="s",
        num_cores=NCORE, num_subcores=NS)



@functools.partial(
    pl.kernel,
    out_type=jax.ShapeDtypeStruct((NCORE * NP,), jnp.float32),
    mesh=_mesh(),
    scratch_types=[
        pltpu.VMEM((NCHD, R), jnp.int32),
        pltpu.VMEM((R,), jnp.float32),
        pltpu.VMEM((PS,), jnp.float32),
        pltpu.VMEM_SHARED((NP,), jnp.float32),
    ],
    compiler_params=_SC_PARAMS,
)
def _sc_degree(dst_hbm, z_hbm, out_hbm, dst_v, ones_v, zbuf, acc_sh):
    c = lax.axis_index("c")
    s = lax.axis_index("s")
    wid = c * NS + s
    for i in range(R // 16):
        ones_v[pl.ds(i * 16, 16)] = jnp.ones((16,), jnp.float32)
    pltpu.sync_copy(z_hbm, zbuf)
    pltpu.sync_copy(zbuf, acc_sh.at[pl.ds(s * PS, PS)])
    plsc.subcore_barrier()
    pltpu.sync_copy(dst_hbm.at[wid], dst_v)

    def body(j, carry):
        pltpu.sync_copy(ones_v, acc_sh.at[dst_v.at[j]], add=True)
        return carry
    lax.fori_loop(0, NCHD, body, 0)
    plsc.subcore_barrier()
    pltpu.sync_copy(acc_sh.at[pl.ds(s * PS, PS)], zbuf)
    pltpu.sync_copy(zbuf, out_hbm.at[pl.ds(c * NP + s * PS, PS)])


NBUF = 5
NGRP = SLAB // NBUF


@functools.partial(
    pl.kernel,
    out_type=jax.ShapeDtypeStruct((NCORE, NP, HG), jnp.float32),
    mesh=_mesh(),
    scratch_types=[
        pltpu.VMEM((SLAB, R), jnp.int32),
        pltpu.VMEM((SLAB, R), jnp.int32),
        pltpu.VMEM((NBUF, R, HG), jnp.float32),
        pltpu.VMEM((CH, HG), jnp.float32),
        pltpu.VMEM_SHARED((NP, HG), jnp.float32),
    ] + [pltpu.SemaphoreType.DMA] * NBUF,
    compiler_params=_SC_PARAMS,
)
def _sc_aggregate(src_hbm, dst_hbm, y0_hbm, y1_hbm, z_hbm, out_hbm,
                  src_v, dst_v, rows_v, zbuf, acc_sh, *sems):
    c = lax.axis_index("c")
    s = lax.axis_index("s")

    def issue(j, b):
        @pl.when(c == 0)
        def _():
            pltpu.async_copy(y0_hbm.at[src_v.at[j]], rows_v.at[b], sems[b])

        @pl.when(c == 1)
        def _():
            pltpu.async_copy(y1_hbm.at[src_v.at[j]], rows_v.at[b], sems[b])

    pltpu.sync_copy(z_hbm, zbuf)

    def zinit(k, carry):
        pltpu.sync_copy(zbuf, acc_sh.at[pl.ds(s * PS + k * CH, CH)])
        return carry
    lax.fori_loop(0, NCH, zinit, 0)
    plsc.subcore_barrier()

    def slab(t, carry):
        pltpu.sync_copy(src_hbm.at[s, t], src_v)
        pltpu.sync_copy(dst_hbm.at[s, t], dst_v)
        for b in range(NBUF):
            issue(b, b)

        def group(g, c2):
            for b in range(NBUF):
                j = g * NBUF + b
                pltpu.make_async_copy(
                    y0_hbm.at[src_v.at[j]], rows_v.at[b], sems[b]).wait()
                pltpu.sync_copy(rows_v.at[b], acc_sh.at[dst_v.at[j]],
                                add=True)

                @pl.when(g < NGRP - 1)
                def _():
                    issue(j + NBUF, b)
            return c2
        lax.fori_loop(0, NGRP, group, 0)
        return carry
    lax.fori_loop(0, NSLAB, slab, 0)
    plsc.subcore_barrier()

    def wout(k, carry):
        pltpu.sync_copy(acc_sh.at[pl.ds(s * PS + k * CH, CH)], zbuf)
        pltpu.sync_copy(zbuf, out_hbm.at[c, pl.ds(s * PS + k * CH, CH)])
        return carry
    lax.fori_loop(0, NCH, wout, 0)



def _elu(x):
    return jnp.where(x > 0, x, jnp.exp(jnp.minimum(x, 0.0)) - 1.0)


def _pre_body(x1_ref, x2_ref, rd_ref, degp_ref, wc_ref,
              y0_ref, y1_ref, dis_ref):
    deg = degp_ref[0] + degp_ref[1]
    dis = jnp.where(deg > 0, lax.rsqrt(jnp.maximum(deg, 1.0)), 0.0)
    x = jnp.concatenate([x1_ref[...], x2_ref[...], rd_ref[...]], axis=1)
    xw = jnp.dot(x, wc_ref[...], preferred_element_type=jnp.float32)
    y = xw * dis
    y0_ref[...] = y[:, :HG]
    y1_ref[...] = y[:, HG:]
    dis_ref[...] = dis


def _tc_pre(x1, x2, rd, degp, wc):
    return pl.pallas_call(
        _pre_body,
        grid=(NB,),
        in_specs=[
            pl.BlockSpec((BR, EMB), lambda i: (i, 0)),
            pl.BlockSpec((BR, EMB), lambda i: (i, 0)),
            pl.BlockSpec((BR, POS), lambda i: (i, 0)),
            pl.BlockSpec((NCORE, BR, 1), lambda i: (0, i, 0)),
            pl.BlockSpec((DIN, DG), lambda i: (0, 0)),
        ],
        out_specs=[
            pl.BlockSpec((BR, HG), lambda i: (i, 0)),
            pl.BlockSpec((BR, HG), lambda i: (i, 0)),
            pl.BlockSpec((BR, 1), lambda i: (i, 0)),
        ],
        out_shape=[
            jax.ShapeDtypeStruct((N, HG), jnp.float32),
            jax.ShapeDtypeStruct((N, HG), jnp.float32),
            jax.ShapeDtypeStruct((N, 1), jnp.float32),
        ],
    )(x1, x2, rd, degp, wc)


def _cat_body(acc_ref, dis_ref, x1_ref, x2_ref, bc_ref, cat_ref, st_ref):
    i = pl.program_id(0)
    acc = jnp.concatenate([acc_ref[0], acc_ref[1]], axis=1)
    conv = acc * dis_ref[...] + bc_ref[...]
    h = _elu(conv)
    cat = jnp.concatenate([x1_ref[...], x2_ref[...], h], axis=1)
    cat_ref[...] = cat
    p = jnp.concatenate([jnp.sum(cat, axis=0, keepdims=True),
                         jnp.sum(cat * cat, axis=0, keepdims=True)], axis=0)

    @pl.when(i == 0)
    def _():
        st_ref[...] = p

    @pl.when(i > 0)
    def _():
        st_ref[...] = st_ref[...] + p


def _tc_cat(acc, dis, x1, x2, bc):
    return pl.pallas_call(
        _cat_body,
        grid=(NB,),
        in_specs=[
            pl.BlockSpec((NCORE, BR, HG), lambda i: (0, i, 0)),
            pl.BlockSpec((BR, 1), lambda i: (i, 0)),
            pl.BlockSpec((BR, EMB), lambda i: (i, 0)),
            pl.BlockSpec((BR, EMB), lambda i: (i, 0)),
            pl.BlockSpec((1, DG), lambda i: (0, 0)),
        ],
        out_specs=[
            pl.BlockSpec((BR, DCAT), lambda i: (i, 0)),
            pl.BlockSpec((2, DCAT), lambda i: (0, 0)),
        ],
        out_shape=[
            jax.ShapeDtypeStruct((N, DCAT), jnp.float32),
            jax.ShapeDtypeStruct((2, DCAT), jnp.float32),
        ],
    )(acc, dis, x1, x2, bc)


def _mlp_body(t_ref, st_ref, g_ref, b_ref, w_ref, bias_ref, o_ref, so_ref):
    i = pl.program_id(0)
    m = st_ref[0:1, :] * (1.0 / N)
    var = st_ref[1:2, :] * (1.0 / N) - m * m
    scale = g_ref[...] * lax.rsqrt(var + EPS)
    shift = b_ref[...] - m * scale
    u = t_ref[...] * scale + shift
    t = _elu(jnp.dot(u, w_ref[...], preferred_element_type=jnp.float32)
             + bias_ref[...])
    o_ref[...] = t
    p = jnp.concatenate([jnp.sum(t, axis=0, keepdims=True),
                         jnp.sum(t * t, axis=0, keepdims=True)], axis=0)

    @pl.when(i == 0)
    def _():
        so_ref[...] = p

    @pl.when(i > 0)
    def _():
        so_ref[...] = so_ref[...] + p


def _tc_mlp(t, st, g, b, w, bias, din, dout):
    return pl.pallas_call(
        _mlp_body,
        grid=(NB,),
        in_specs=[
            pl.BlockSpec((BR, din), lambda i: (i, 0)),
            pl.BlockSpec((2, din), lambda i: (0, 0)),
            pl.BlockSpec((1, din), lambda i: (0, 0)),
            pl.BlockSpec((1, din), lambda i: (0, 0)),
            pl.BlockSpec((din, dout), lambda i: (0, 0)),
            pl.BlockSpec((1, dout), lambda i: (0, 0)),
        ],
        out_specs=[
            pl.BlockSpec((BR, dout), lambda i: (i, 0)),
            pl.BlockSpec((2, dout), lambda i: (0, 0)),
        ],
        out_shape=[
            jax.ShapeDtypeStruct((N, dout), jnp.float32),
            jax.ShapeDtypeStruct((2, dout), jnp.float32),
        ],
    )(t, st, g, b, w, bias)


def _bn_body(t_ref, st_ref, g_ref, b_ref, o_ref):
    m = st_ref[0:1, :] * (1.0 / N)
    var = st_ref[1:2, :] * (1.0 / N) - m * m
    scale = g_ref[...] * lax.rsqrt(var + EPS)
    o_ref[...] = t_ref[...] * scale + (b_ref[...] - m * scale)


def _tc_bn(t, st, g, b, d):
    return pl.pallas_call(
        _bn_body,
        grid=(NB,),
        in_specs=[
            pl.BlockSpec((BR, d), lambda i: (i, 0)),
            pl.BlockSpec((2, d), lambda i: (0, 0)),
            pl.BlockSpec((1, d), lambda i: (0, 0)),
            pl.BlockSpec((1, d), lambda i: (0, 0)),
        ],
        out_specs=pl.BlockSpec((BR, d), lambda i: (i, 0)),
        out_shape=jax.ShapeDtypeStruct((N, d), jnp.float32),
    )(t, st, g, b)



def kernel(x1, x2, batch, random_dims, edge_index, x_j_mask,
           W_conv, b_conv, bn_g, bn_b,
           W1, b1, g1, be1, W2, b2, g2, be2, W3, b3, g3, be3):
    src4 = edge_index[0].reshape(NS, NSLAB, SLAB, R)
    dst4 = edge_index[1].reshape(NS, NSLAB, SLAB, R)
    dst3 = edge_index[1].reshape(NCORE * NS, NCHD, R)
    zN = jnp.zeros((PS,), jnp.float32)
    z2 = jnp.zeros((CH, HG), jnp.float32)

    degp = _sc_degree(dst3, zN).reshape(NCORE, NP, 1)
    return degp
    t1, st1 = _tc_mlp(cat, st0, bn_g.reshape(1, DCAT), bn_b.reshape(1, DCAT),
                      W1, b1.reshape(1, DG), DCAT, DG)
    t2, st2 = _tc_mlp(t1, st1, g1.reshape(1, DG), be1.reshape(1, DG),
                      W2, b2.reshape(1, DG), DG, DG)
    t3, st3 = _tc_mlp(t2, st2, g2.reshape(1, DG), be2.reshape(1, DG),
                      W3, b3.reshape(1, DG // 2), DG, DG // 2)
    return _tc_bn(t3, st3, g3.reshape(1, DG // 2), be3.reshape(1, DG // 2),
                  DG // 2)

# --- scband reference (transcript-rebuilt; emitter-appended) ---
"""Pipeline reference for scband-gcnbase-12335146074466 (READ-ONLY COPY).

The authoritative reference and input builder live on the scoring server;
editing this copy changes nothing except your own understanding.
"""

import jax, jax.numpy as jnp
import numpy as np

N = 100000
E = 1600000
EMB = 16
POS = 16
DG = 16
DIN = 2 * EMB + POS   # 48: conv input dim
DCAT = DG + 2 * EMB   # 48: post-concat dim
EPS = 1e-5


def setup_inputs(seed: int = 0):
    key = jax.random.key(seed)
    ks = jax.random.split(key, 16)
    inp = {}
    inp["x1"] = jax.random.normal(ks[0], (N, EMB), dtype=jnp.float32)
    inp["x2"] = jax.random.normal(ks[1], (N, EMB), dtype=jnp.float32)
    inp["random_dims"] = jax.random.normal(ks[2], (N, POS), dtype=jnp.float32)
    inp["batch"] = jnp.zeros((N,), dtype=jnp.int32)
    inp["edge_index"] = jax.random.randint(ks[3], (2, E), 0, N, dtype=jnp.int32)
    inp["x_j_mask"] = jnp.ones((E,), dtype=jnp.float32)
    # GCNConv params
    inp["W_conv"] = jax.random.normal(ks[4], (DIN, DG), dtype=jnp.float32) * (1.0 / np.sqrt(DIN))
    inp["b_conv"] = jnp.zeros((DG,), dtype=jnp.float32)
    # BatchNorm after concat
    inp["bn_g"] = jnp.ones((DCAT,), dtype=jnp.float32)
    inp["bn_b"] = jnp.zeros((DCAT,), dtype=jnp.float32)
    # MLP: Linear(48,16), Linear(16,16), Linear(16,8); final Linear(8,1) unused in from_node_to_out
    inp["W1"] = jax.random.normal(ks[5], (DCAT, DG), dtype=jnp.float32) * (1.0 / np.sqrt(DCAT))
    inp["b1"] = jnp.zeros((DG,), dtype=jnp.float32)
    inp["g1"] = jnp.ones((DG,), dtype=jnp.float32)
    inp["be1"] = jnp.zeros((DG,), dtype=jnp.float32)
    inp["W2"] = jax.random.normal(ks[6], (DG, DG), dtype=jnp.float32) * (1.0 / np.sqrt(DG))
    inp["b2"] = jnp.zeros((DG,), dtype=jnp.float32)
    inp["g2"] = jnp.ones((DG,), dtype=jnp.float32)
    inp["be2"] = jnp.zeros((DG,), dtype=jnp.float32)
    inp["W3"] = jax.random.normal(ks[7], (DG, DG // 2), dtype=jnp.float32) * (1.0 / np.sqrt(DG))
    inp["b3"] = jnp.zeros((DG // 2,), dtype=jnp.float32)
    inp["g3"] = jnp.ones((DG // 2,), dtype=jnp.float32)
    inp["be3"] = jnp.zeros((DG // 2,), dtype=jnp.float32)
    return inp


def batchnorm(x, g, b):
    # BatchNorm1d in training mode: per-feature batch statistics
    m = jnp.mean(x, axis=0)
    v = jnp.var(x, axis=0)
    return (x - m) / jnp.sqrt(v + EPS) * g + b


def gcn_conv(x, edge_index, W, b, x_j_mask):
    # GCN with symmetric normalization, add_self_loops=False,
    # per-edge float mask applied to messages (x_j_mask)
    src = edge_index[0]
    dst = edge_index[1]
    deg = jnp.zeros((N,), dtype=x.dtype).at[dst].add(1.0)
    dis = jnp.where(deg > 0, 1.0 / jnp.sqrt(jnp.maximum(deg, 1.0)), 0.0)
    xw = x @ W
    norm = dis[src] * dis[dst] * x_j_mask
    msg = jnp.take(xw, src, axis=0) * norm[:, None]
    out = jnp.zeros((N, xw.shape[1]), dtype=x.dtype).at[dst].add(msg)
    return out + b


def reference(x1, x2, batch, random_dims, edge_index, x_j_mask,
              W_conv, b_conv, bn_g, bn_b,
              W1, b1, g1, be1, W2, b2, g2, be2, W3, b3, g3, be3):
    # from_node_to_out with n_layers_gnn=1, n_layers_nn=2
    x = jnp.concatenate([x1, x2, random_dims], axis=1)
    x = jax.nn.elu(gcn_conv(x, edge_index, W_conv, b_conv, x_j_mask))
    x = jnp.concatenate([x1, x2, x], axis=1)
    x = batchnorm(x, bn_g, bn_b)
    # mlp[:-2] with bns_mlp[:-1]
    x = batchnorm(jax.nn.elu(x @ W1 + b1), g1, be1)
    x = batchnorm(jax.nn.elu(x @ W2 + b2), g2, be2)
    # mlp[-2] with bns_mlp[-1]
    x = batchnorm(jax.nn.elu(x @ W3 + b3), g3, be3)
    return x

if __name__ == "__main__":
    import jax
    _d = setup_inputs()
    print(jax.jit(kernel)(*tuple(_d.values())))

</pallas_src>

<mosaic_0001>
#map = affine_map<(d0, d1) -> (0, 0, 0)>
#map1 = affine_map<(d0, d1) -> (0)>
module attributes {stable_mosaic.version = 14 : i64} {
  func.func @_sc_degree(%arg0: i32, %arg1: i32, %arg2: memref<32x625x80xi32, #tpu.memory_space<hbm>>, %arg3: memref<6256xf32, #tpu.memory_space<hbm>>, %arg4: memref<200192xf32, #tpu.memory_space<hbm>>, %arg5: memref<625x80xi32, #tpu.memory_space<vmem>>, %arg6: memref<80xf32, #tpu.memory_space<vmem>>, %arg7: memref<6256xf32, #tpu.memory_space<vmem>>, %arg8: memref<100096xf32, #tpu.memory_space<vmem_shared>>) attributes {dimension_semantics = [#tpu.dimension_semantics<core_parallel>, #tpu.dimension_semantics<subcore_parallel>], iteration_bounds = array<i64: 2, 16>, scalar_prefetch = 0 : i64, scratch_operands = 4 : i64, tpu.core_type = #tpu.core_type<sc_vector_subcore>, window_params = [{transform_indices = #map}, {transform_indices = #map1}, {transform_indices = #map1}]} {
    %mul3A = arith.constant 16 : i32
    %mul3A_0 = arith.muli %arg0, %mul3A : i32
    %add3A = arith.addi %mul3A_0, %arg1 : i32
    %broadcast_in_dim3A = arith.constant 1.000000e+00 : f32
    %broadcast_in_dim3A_1 = vector.broadcast %broadcast_in_dim3A : f32 to vector<16xf32>
    %swap3A = arith.constant 0 : index
    %swap3A_2 = tpu.vector_load %arg6[%swap3A] {strides = array<i32>} : memref<80xf32, #tpu.memory_space<vmem>>, vector<16xf32>,
    %swap3A_3 = vector.shape_cast %swap3A_2 : vector<16xf32> to vector<16xf32>
    %swap3A_4 = vector.shape_cast %broadcast_in_dim3A_1 : vector<16xf32> to vector<16xf32>
    tpu.vector_store %arg6[%swap3A], %swap3A_4 {strides = array<i32>} : memref<80xf32, #tpu.memory_space<vmem>>, vector<16xf32>,
    %broadcast_in_dim3A_5 = arith.constant 1.000000e+00 : f32
    %broadcast_in_dim3A_6 = vector.broadcast %broadcast_in_dim3A_5 : f32 to vector<16xf32>
    %swap3A_7 = arith.constant 16 : index
    %swap3A_8 = tpu.vector_load %arg6[%swap3A_7] {strides = array<i32>} : memref<80xf32, #tpu.memory_space<vmem>>, vector<16xf32>,
    %swap3A_9 = vector.shape_cast %swap3A_8 : vector<16xf32> to vector<16xf32>
    %swap3A_10 = vector.shape_cast %broadcast_in_dim3A_6 : vector<16xf32> to vector<16xf32>
    tpu.vector_store %arg6[%swap3A_7], %swap3A_10 {strides = array<i32>} : memref<80xf32, #tpu.memory_space<vmem>>, vector<16xf32>,
    %broadcast_in_dim3A_11 = arith.constant 1.000000e+00 : f32
    %broadcast_in_dim3A_12 = vector.broadcast %broadcast_in_dim3A_11 : f32 to vector<16xf32>
    %swap3A_13 = arith.constant 32 : index
    %swap3A_14 = tpu.vector_load %arg6[%swap3A_13] {strides = array<i32>} : memref<80xf32, #tpu.memory_space<vmem>>, vector<16xf32>,
    %swap3A_15 = vector.shape_cast %swap3A_14 : vector<16xf32> to vector<16xf32>
    %swap3A_16 = vector.shape_cast %broadcast_in_dim3A_12 : vector<16xf32> to vector<16xf32>
    tpu.vector_store %arg6[%swap3A_13], %swap3A_16 {strides = array<i32>} : memref<80xf32, #tpu.memory_space<vmem>>, vector<16xf32>,
    %broadcast_in_dim3A_17 = arith.constant 1.000000e+00 : f32
    %broadcast_in_dim3A_18 = vector.broadcast %broadcast_in_dim3A_17 : f32 to vector<16xf32>
    %swap3A_19 = arith.constant 48 : index
    %swap3A_20 = tpu.vector_load %arg6[%swap3A_19] {strides = array<i32>} : memref<80xf32, #tpu.memory_space<vmem>>, vector<16xf32>,
    %swap3A_21 = vector.shape_cast %swap3A_20 : vector<16xf32> to vector<16xf32>
    %swap3A_22 = vector.shape_cast %broadcast_in_dim3A_18 : vector<16xf32> to vector<16xf32>
    tpu.vector_store %arg6[%swap3A_19], %swap3A_22 {strides = array<i32>} : memref<80xf32, #tpu.memory_space<vmem>>, vector<16xf32>,
    %broadcast_in_dim3A_23 = arith.constant 1.000000e+00 : f32
    %broadcast_in_dim3A_24 = vector.broadcast %broadcast_in_dim3A_23 : f32 to vector<16xf32>
    %swap3A_25 = arith.constant 64 : index
    %swap3A_26 = tpu.vector_load %arg6[%swap3A_25] {strides = array<i32>} : memref<80xf32, #tpu.memory_space<vmem>>, vector<16xf32>,
    %swap3A_27 = vector.shape_cast %swap3A_26 : vector<16xf32> to vector<16xf32>
    %swap3A_28 = vector.shape_cast %broadcast_in_dim3A_24 : vector<16xf32> to vector<16xf32>
    tpu.vector_store %arg6[%swap3A_25], %swap3A_28 {strides = array<i32>} : memref<80xf32, #tpu.memory_space<vmem>>, vector<16xf32>,
    "tpu.region"() ({
      %run_scoped3A = tpu.sem_alloc : memref<!tpu.dma_semaphore, #tpu.memory_space<semaphore_mem>>
      tpu.enqueue_dma source(%arg3 : memref<6256xf32, #tpu.memory_space<hbm>>) target(%arg7 : memref<6256xf32, #tpu.memory_space<vmem>>) target_semaphore(%run_scoped3A : memref<!tpu.dma_semaphore, #tpu.memory_space<semaphore_mem>>)
      tpu.wait_dma2 semaphore(%run_scoped3A : memref<!tpu.dma_semaphore, #tpu.memory_space<semaphore_mem>>) src(%arg3 : memref<6256xf32, #tpu.memory_space<hbm>>) dst(%arg7 : memref<6256xf32, #tpu.memory_space<vmem>>)
      tpu.yield
    }) : () -> ()
    %mul3A_29 = arith.constant 6256 : i32
    %mul3A_30 = arith.muli %arg1, %mul3A_29 : i32
    "tpu.region"() ({
      %run_scoped3A = tpu.sem_alloc : memref<!tpu.dma_semaphore, #tpu.memory_space<semaphore_mem>>
      %dma_start3A = tpu.memref_slice %arg8[%mul3A_30] : memref<100096xf32, #tpu.memory_space<vmem_shared>> -> memref<6256xf32, #tpu.memory_space<vmem_shared>>
      %dma_start3A_44 = tpu.memref_slice %arg8[%mul3A_30] : memref<100096xf32, #tpu.memory_space<vmem_shared>> -> memref<6256xf32, #tpu.memory_space<vmem_shared>>
      tpu.enqueue_dma source(%arg7 : memref<6256xf32, #tpu.memory_space<vmem>>) target(%dma_start3A_44 : memref<6256xf32, #tpu.memory_space<vmem_shared>>) target_semaphore(%run_scoped3A : memref<!tpu.dma_semaphore, #tpu.memory_space<semaphore_mem>>)
      %dma_wait3A = tpu.memref_slice %arg8[%mul3A_30] : memref<100096xf32, #tpu.memory_space<vmem_shared>> -> memref<6256xf32, #tpu.memory_space<vmem_shared>>
      %dma_wait3A_45 = tpu.memref_slice %arg8[%mul3A_30] : memref<100096xf32, #tpu.memory_space<vmem_shared>> -> memref<6256xf32, #tpu.memory_space<vmem_shared>>
      tpu.wait_dma2 semaphore(%run_scoped3A : memref<!tpu.dma_semaphore, #tpu.memory_space<semaphore_mem>>) src(%arg7 : memref<6256xf32, #tpu.memory_space<vmem>>) dst(%dma_wait3A_45 : memref<6256xf32, #tpu.memory_space<vmem_shared>>)
      tpu.yield
    }) : () -> ()
    %barrier3A = arith.constant 0 : index
    tpu.barrier barrier_id(%barrier3A)
    "tpu.region"() ({
      %run_scoped3A = tpu.sem_alloc : memref<!tpu.dma_semaphore, #tpu.memory_space<semaphore_mem>>
      %dma_start3A = arith.constant 0 : i32
      %dma_start3A_44 = arith.constant 0 : i32
      %dma_start3A_45 = tpu.memref_slice %arg2[%add3A, %dma_start3A, %dma_start3A_44] : memref<32x625x80xi32, #tpu.memory_space<hbm>> -> memref<1x625x80xi32, #tpu.memory_space<hbm>>
      %dma_start3A_46 = tpu.memref_squeeze %dma_start3A_45 : memref<1x625x80xi32, #tpu.memory_space<hbm>> -> memref<625x80xi32, #tpu.memory_space<hbm>>
      %dma_start3A_47 = arith.constant 0 : i32
      %dma_start3A_48 = arith.constant 0 : i32
      %dma_start3A_49 = tpu.memref_slice %arg2[%add3A, %dma_start3A_47, %dma_start3A_48] : memref<32x625x80xi32, #tpu.memory_space<hbm>> -> memref<1x625x80xi32, #tpu.memory_space<hbm>>
      %dma_start3A_50 = tpu.memref_squeeze %dma_start3A_49 : memref<1x625x80xi32, #tpu.memory_space<hbm>> -> memref<625x80xi32, #tpu.memory_space<hbm>>
      tpu.enqueue_dma source(%dma_start3A_50 : memref<625x80xi32, #tpu.memory_space<hbm>>) target(%arg5 : memref<625x80xi32, #tpu.memory_space<vmem>>) target_semaphore(%run_scoped3A : memref<!tpu.dma_semaphore, #tpu.memory_space<semaphore_mem>>)
      %dma_wait3A = arith.constant 0 : i32
      %dma_wait3A_51 = arith.constant 0 : i32
      %dma_wait3A_52 = tpu.memref_slice %arg2[%add3A, %dma_wait3A, %dma_wait3A_51] : memref<32x625x80xi32, #tpu.memory_space<hbm>> -> memref<1x625x80xi32, #tpu.memory_space<hbm>>
      %dma_wait3A_53 = tpu.memref_squeeze %dma_wait3A_52 : memref<1x625x80xi32, #tpu.memory_space<hbm>> -> memref<625x80xi32, #tpu.memory_space<hbm>>
      %dma_wait3A_54 = arith.constant 0 : i32
      %dma_wait3A_55 = arith.constant 0 : i32
      %dma_wait3A_56 = tpu.memref_slice %arg2[%add3A, %dma_wait3A_54, %dma_wait3A_55] : memref<32x625x80xi32, #tpu.memory_space<hbm>> -> memref<1x625x80xi32, #tpu.memory_space<hbm>>
      %dma_wait3A_57 = tpu.memref_squeeze %dma_wait3A_56 : memref<1x625x80xi32, #tpu.memory_space<hbm>> -> memref<625x80xi32, #tpu.memory_space<hbm>>
      tpu.wait_dma2 semaphore(%run_scoped3A : memref<!tpu.dma_semaphore, #tpu.memory_space<semaphore_mem>>) src(%dma_wait3A_57 : memref<625x80xi32, #tpu.memory_space<hbm>>) dst(%arg5 : memref<625x80xi32, #tpu.memory_space<vmem>>)
      tpu.yield
    }) : () -> ()
    %scan3A = arith.constant 0 : i32
    %scan3A_31 = arith.constant 0 : i32
    %scan3A_32 = arith.constant 625 : i32
    %scan3A_33 = arith.addi %scan3A_31, %scan3A_32 : i32
    %scan3A_34 = arith.constant 1 : i32
    scf.for %scan3A_44 = %scan3A_31 to %scan3A_33 step %scan3A_34  : i32 {
      "tpu.region"() ({
        %run_scoped3A = tpu.sem_alloc : memref<!tpu.dma_semaphore, #tpu.memory_space<semaphore_mem>>
        %dma_start3A = arith.constant 0 : i32
        %dma_start3A_45 = tpu.memref_slice %arg5[%scan3A_44, %dma_start3A] : memref<625x80xi32, #tpu.memory_space<vmem>> -> memref<1x80xi32, #tpu.memory_space<vmem>>
        %dma_start3A_46 = tpu.memref_squeeze %dma_start3A_45 : memref<1x80xi32, #tpu.memory_space<vmem>> -> memref<80xi32, #tpu.memory_space<vmem>>
        %dma_start3A_47 = arith.constant 0 : i32
        %dma_start3A_48 = tpu.memref_slice %arg8[%dma_start3A_47] : memref<100096xf32, #tpu.memory_space<vmem_shared>> -> memref<100096xf32, #tpu.memory_space<vmem_shared>>
        tpu.enqueue_indirect_dma source(%arg6 : memref<80xf32, #tpu.memory_space<vmem>>) target(%dma_start3A_48 : memref<100096xf32, #tpu.memory_space<vmem_shared>>) offsets(%dma_start3A_46 : memref<80xi32, #tpu.memory_space<vmem>>) semaphore(%run_scoped3A : memref<!tpu.dma_semaphore, #tpu.memory_space<semaphore_mem>>) {add = true}
        %dma_wait3A = arith.constant 0 : i32
        %dma_wait3A_49 = tpu.memref_slice %arg5[%scan3A_44, %dma_wait3A] : memref<625x80xi32, #tpu.memory_space<vmem>> -> memref<1x80xi32, #tpu.memory_space<vmem>>
        %dma_wait3A_50 = tpu.memref_squeeze %dma_wait3A_49 : memref<1x80xi32, #tpu.memory_space<vmem>> -> memref<80xi32, #tpu.memory_space<vmem>>
        %dma_wait3A_51 = arith.constant 0 : i32
        %dma_wait3A_52 = tpu.memref_slice %arg8[%dma_wait3A_51] : memref<100096xf32, #tpu.memory_space<vmem_shared>> -> memref<100096xf32, #tpu.memory_space<vmem_shared>>
        tpu.wait_indirect_dma semaphore(%run_scoped3A : memref<!tpu.dma_semaphore, #tpu.memory_space<semaphore_mem>>) src(%arg6 : memref<80xf32, #tpu.memory_space<vmem>>) dst(%dma_wait3A_52 : memref<100096xf32, #tpu.memory_space<vmem_shared>>)
        tpu.yield
      }) : () -> ()
    }
    %scan3A_35 = arith.constant 625 : i32
    %barrier3A_36 = arith.constant 0 : index
    tpu.barrier barrier_id(%barrier3A_36)
    %mul3A_37 = arith.constant 6256 : i32
    %mul3A_38 = arith.muli %arg1, %mul3A_37 : i32
    "tpu.region"() ({
      %run_scoped3A = tpu.sem_alloc : memref<!tpu.dma_semaphore, #tpu.memory_space<semaphore_mem>>
      %dma_start3A = tpu.memref_slice %arg8[%mul3A_38] : memref<100096xf32, #tpu.memory_space<vmem_shared>> -> memref<6256xf32, #tpu.memory_space<vmem_shared>>
      %dma_start3A_44 = tpu.memref_slice %arg8[%mul3A_38] : memref<100096xf32, #tpu.memory_space<vmem_shared>> -> memref<6256xf32, #tpu.memory_space<vmem_shared>>
      tpu.enqueue_dma source(%dma_start3A_44 : memref<6256xf32, #tpu.memory_space<vmem_shared>>) target(%arg7 : memref<6256xf32, #tpu.memory_space<vmem>>) target_semaphore(%run_scoped3A : memref<!tpu.dma_semaphore, #tpu.memory_space<semaphore_mem>>)
      %dma_wait3A = tpu.memref_slice %arg8[%mul3A_38] : memref<100096xf32, #tpu.memory_space<vmem_shared>> -> memref<6256xf32, #tpu.memory_space<vmem_shared>>
      %dma_wait3A_45 = tpu.memref_slice %arg8[%mul3A_38] : memref<100096xf32, #tpu.memory_space<vmem_shared>> -> memref<6256xf32, #tpu.memory_space<vmem_shared>>
      tpu.wait_dma2 semaphore(%run_scoped3A : memref<!tpu.dma_semaphore, #tpu.memory_space<semaphore_mem>>) src(%dma_wait3A_45 : memref<6256xf32, #tpu.memory_space<vmem_shared>>) dst(%arg7 : memref<6256xf32, #tpu.memory_space<vmem>>)
      tpu.yield
    }) : () -> ()
    %mul3A_39 = arith.constant 100096 : i32
    %mul3A_40 = arith.muli %arg0, %mul3A_39 : i32
    %mul3A_41 = arith.constant 6256 : i32
    %mul3A_42 = arith.muli %arg1, %mul3A_41 : i32
    %add3A_43 = arith.addi %mul3A_40, %mul3A_42 : i32
    "tpu.region"() ({
      %run_scoped3A = tpu.sem_alloc : memref<!tpu.dma_semaphore, #tpu.memory_space<semaphore_mem>>
      %dma_start3A = tpu.memref_slice %arg4[%add3A_43] : memref<200192xf32, #tpu.memory_space<hbm>> -> memref<6256xf32, #tpu.memory_space<hbm>>
      %dma_start3A_44 = tpu.memref_slice %arg4[%add3A_43] : memref<200192xf32, #tpu.memory_space<hbm>> -> memref<6256xf32, #tpu.memory_space<hbm>>
      tpu.enqueue_dma source(%arg7 : memref<6256xf32, #tpu.memory_space<vmem>>) target(%dma_start3A_44 : memref<6256xf32, #tpu.memory_space<hbm>>) target_semaphore(%run_scoped3A : memref<!tpu.dma_semaphore, #tpu.memory_space<semaphore_mem>>)
      %dma_wait3A = tpu.memref_slice %arg4[%add3A_43] : memref<200192xf32, #tpu.memory_space<hbm>> -> memref<6256xf32, #tpu.memory_space<hbm>>
      %dma_wait3A_45 = tpu.memref_slice %arg4[%add3A_43] : memref<200192xf32, #tpu.memory_space<hbm>> -> memref<6256xf32, #tpu.memory_space<hbm>>
      tpu.wait_dma2 semaphore(%run_scoped3A : memref<!tpu.dma_semaphore, #tpu.memory_space<semaphore_mem>>) src(%arg7 : memref<6256xf32, #tpu.memory_space<vmem>>) dst(%dma_wait3A_45 : memref<6256xf32, #tpu.memory_space<hbm>>)
      tpu.yield
    }) : () -> ()
    return
  }
}

</mosaic_0001>

<sc_bundles>
// kernel: kernel.3.cloned.1.call-start
scs
__scs_entry_jumppad:
0x0: {  	(pc) =	sbr.rel $0x88, $3  }
0x1: {  	(tag) =	ssettag $0x0;
	lr =	simm.s32 $0x1  }
0x2: {  	[smem:$0x3FA0] =	sst lr;
	_ =	strace $0xD0000000  }
0x3: {  	_ = 	snop  }
0x4: {  	_ = 	snop  }
0x5: {  	_ = 	snop  }
0x6: {  	_ = 	snop  }
0x7: {  	_ = 	snop  }
__scs_overlays_trampoline_lowered:
0x8: {  	[smem:$0x3FAF] =	sst s0  }
0x9: {  	[smem:$0x3FB0] =	sst s1  }
0xa: {  	[smem:$0x3FB1] =	sst s2  }
0xb: {  	[smem:$0x3FB2] =	sst s3  }
0xc: {  	[smem:$0x3FB3] =	sst s4  }
0xd: {  	[smem:$0x3FB4] =	sst s5  }
0xe: {  	[smem:$0x3FB5] =	sst s6  }
0xf: {  	[smem:$0x3FB6] =	sst s7  }
0x10: {  	[smem:$0x3FB7] =	sst s8  }
0x11: {  	[smem:$0x3FB8] =	sst s9;
	s0 =	simm.s32 @!p0 $0x0  }
0x12: {  	s1 =	sld [smem:$0x3F9E];
	s0 =	simm.s32 @p0 $0x1  }
0x13: {  	[smem:$0x3FB9] =	sst s0;
	s0 =	simm.s32 @!p1 $0x0  }
0x14: {  	s2 =	sld [smem:$0x3F9D];
	s0 =	simm.s32 @p1 $0x1  }
0x15: {  	[smem:$0x3FBA] =	sst s0;
	s0 =	simm.s32 @!p2 $0x0  }
0x16: {  	s3 =	sld [smem:$0x3FDB];
	s0 =	simm.s32 @p2 $0x1  }
0x17: {  	s4 =	simm.s32 $0x1BF5;
	[smem:$0x3FBC] =	sst s0  }
0x18: {  	s0 =	sld [smem:$0x3F9F];
	_ =	swait.ge [sflag:s4], $0x0  }
0x19: {  	s7 =	sld [smem:$0x3FA0]  }
0x1a: {  	s8 =	sadd.s32 $0xFFFFE003, lr  }
0x1b: {  	s9 =	sadd.s32 $0xFFFFFEF7, lr;
	s5 =	simm.s32 $0xFFFFFFFF;
	p2 =	slt.u32 s8, $0xFFFFF086  }
0x1c: {  	p1 =	slt.u32 s9, $0xF7A;
	s5 =	simm.s32 @!p2 $0x0  }
0x1d: {  	s5 =	simm.s32 @p1 $0x1;
	p0 =	seq.s32 s7, s2  }
0x1e: {  	s7 =	smul.u32 @!p0 $0xF7A, s2;
	p2 =	seq.s32 @!p0 s5, $0x0  }
0x1f: {  	s9 =	smul.u32 $0xF7A, s1;
	s8 =	simm.s32 @!p0 $0x1BF5;
	p2 =	por !p2, p0  }
0x20: {  	[sflag:s8] =	ssyncset.s32 @!p0 $0xFFFFF086;
	s6 =	sadd.s32 @!p0 s3, s7;
	s7 =	simm.s32 @!p0 $0x108  }
0x21: {  	s3 =	sadd.s32 s3, s9;
	s6 =	sadd.s32 @!p0 $0x88, s6;
	s7 =	simm.s32 @p2 $0x1082  }
0x22: {  	[simem:s7], [sflag:s8] =	dma.local @!p0 [hbm:s6], $0xF7A  }
0x23: {  	s9 =	sor.u32 $0xD0000000, s2;
	s6 =	simm.s32 $0x108;
	_ =	swait.ge @!p0 [sflag:s8], $0x0  }
0x24: {  	s3 =	sadd.s32 $0x88, s3;
	s6 =	simm.s32 @!p1 $0x1082;
	[sflag:s4] =	ssyncset.s32 $0xFFFFF086  }
0x25: {  	[simem:s6], [sflag:s4] =	dma.local [hbm:s3], $0xF7A  }
0x26: {  	[smem:$0x3FA0] =	sst s1;
	(tag) =	ssettag s2;
	_ =	strace s9  }
0x27: {  	s1 =	sld [smem:$0x3FB0]  }
0x28: {  	s2 =	sld [smem:$0x3FB1]  }
0x29: {  	s4 =	sld [smem:$0x3FB3]  }
0x2a: {  	p0 =	seq.s32 s5, $0x0;
	s5 =	sld [smem:$0x3FB4]  }
0x2b: {  	s6 =	sld [smem:$0x3FB5]  }
0x2c: {  	s7 =	sld [smem:$0x3FB6]  }
0x2d: {  	s3 =	simm.s32 $0x108;
	s8 =	sld [smem:$0x3FB7]  }
0x2e: {  	s3 =	simm.s32 @!p0 $0x1082;
	s9 =	sld [smem:$0x3FB8]  }
0x2f: {  	lr =	sadd.s32 s0, s3;
	s0 =	sld [smem:$0x3FAF]  }
0x30: {  	s3 =	sld [smem:$0x3FB2]  }
0x31: {  	[smem:$0x3FBB] =	sst s10  }
0x32: {  	s10 =	sld [smem:$0x3FB9];
	_ =	sdelay $0x3  }
0x33: {  	p0 =	seq.s32 s10, $0x1;
	s10 =	sld [smem:$0x3FBB];
	_ =	sdelay $0x3  }
0x34: {  	[smem:$0x3FBB] =	sst s10  }
0x35: {  	s10 =	sld [smem:$0x3FBA];
	_ =	sdelay $0x3  }
0x36: {  	p1 =	seq.s32 s10, $0x1;
	s10 =	sld [smem:$0x3FBB];
	_ =	sdelay $0x3  }
0x37: {  	[smem:$0x3FBB] =	sst s10  }
0x38: {  	s10 =	sld [smem:$0x3FBC]  }
0x39: {  	_ = 	snop;
	(pc) =	sbr.ind lr, $3  }
0x3a: {  	_ = 	snop  }
0x3b: {  	_ = 	snop  }
0x3c: {  	p2 =	seq.s32 s10, $0x1;
	s10 =	sld [smem:$0x3FBB]  }
0x3d: {  	_ =	shalt  }
0x3e: {  	_ =	shalt  }
0x3f: {  	_ =	shalt  }
0x40: {  	_ =	shalt  }
0x41: {  	_ =	shalt  }
0x42: {  	_ =	shalt  }
0x43: {  	_ =	shalt  }
0x44: {  	_ =	shalt  }
0x45: {  	_ =	shalt  }
0x46: {  	_ =	shalt  }
0x47: {  	_ =	shalt  }
0x48: {  	_ =	shalt  }
0x49: {  	_ =	shalt  }
0x4a: {  	_ =	shalt  }
0x4b: {  	_ =	shalt  }
0x4c: {  	_ =	shalt  }
0x4d: {  	_ =	shalt  }
0x4e: {  	_ =	shalt  }
0x4f: {  	_ =	shalt  }
0x50: {  	_ =	shalt  }
0x51: {  	_ =	shalt  }
0x52: {  	_ =	shalt  }
0x53: {  	_ =	shalt  }
0x54: {  	_ =	shalt  }
0x55: {  	_ =	shalt  }
0x56: {  	_ =	shalt  }
0x57: {  	_ =	shalt  }
0x58: {  	_ =	shalt  }
0x59: {  	_ =	shalt  }
0x5a: {  	_ =	shalt  }
0x5b: {  	_ =	shalt  }
0x5c: {  	_ =	shalt  }
0x5d: {  	_ =	shalt  }
0x5e: {  	_ =	shalt  }
0x5f: {  	_ =	shalt  }
0x60: {  	_ =	shalt  }
0x61: {  	_ =	shalt  }
0x62: {  	_ =	shalt  }
0x63: {  	_ =	shalt  }
0x64: {  	_ =	shalt  }
0x65: {  	_ =	shalt  }
0x66: {  	_ =	shalt  }
0x67: {  	_ =	shalt  }
0x68: {  	_ =	shalt  }
0x69: {  	_ =	shalt  }
0x6a: {  	_ =	shalt  }
0x6b: {  	_ =	shalt  }
0x6c: {  	_ =	shalt  }
0x6d: {  	_ =	shalt  }
0x6e: {  	_ =	shalt  }
0x6f: {  	_ =	shalt  }
0x70: {  	_ =	shalt  }
0x71: {  	_ =	shalt  }
0x72: {  	_ =	shalt  }
0x73: {  	_ =	shalt  }
0x74: {  	_ =	shalt  }
0x75: {  	_ =	shalt  }
0x76: {  	_ =	shalt  }
0x77: {  	_ =	shalt  }
0x78: {  	_ =	shalt  }
0x79: {  	_ =	shalt  }
0x7a: {  	_ =	shalt  }
0x7b: {  	_ =	shalt  }
0x7c: {  	_ =	shalt  }
0x7d: {  	_ =	shalt  }
0x7e: {  	_ =	shalt  }
0x7f: {  	_ =	shalt  }
0x80: {  	_ =	shalt  }
0x81: {  	_ =	shalt  }
0x82: {  	_ =	shalt  }
0x83: {  	_ =	shalt  }
0x84: {  	_ =	shalt  }
0x85: {  	_ =	shalt  }
0x86: {  	_ =	shalt  }
0x87: {  	_ =	shalt  }
.Lfunc_end0:
.L_simem_size_0:
called_computation_lowered:
.L_overlay_start_0:
0x88: {  	s2 =	sld [smem:$0x3FD9]  }
0x89: {  	s3 =	sld [smem:$0x3FFE];
	_ =	sdelay $0x1  }
0x8a: {  	s1 =	srdreg.scid  }
0x8b: {  	s0 =	sand.u32 $0x1, s1  }
0x8c: {  	s17 =	sshll.u32 s0, $0xA;
	s2 =	sadd.s32 s3, s2  }
0x8d: {  	s2 =	sadd.s32 s2, s17  }
0x8e: {  	[smem:$0x3FC7] =	sst s2  }
0x8f: {  	_ = 	snop  }
0x90: {  	s2 =	sld [smem:$0x3FD0];
	(tm) =	ssettm $0x1  }
0x91: {  	s18 =	sld [smem:$0x3FFB];
	_ =	sdelay $0x3  }
0x92: {  	_ =	strace s18  }
0x93: {  	s3 =	sld [smem:$0x3FFC];
	_ =	sdelay $0x3  }
0x94: {  	_ =	strace s3  }
0x95: {  	s3 =	sld [smem:$0x3FFD];
	_ =	sdelay $0x3  }
0x96: {  	_ =	strace s3  }
0x97: {  	_ =	strace $0x8FFFFFFF  }
0x98: {  	s19 =	sld [smem:$0x3FDB];
	_ =	sdelay $0x1  }
0x99: {  	s4 =	simm.s32 $_scs_section_size  }
0x9a: {  	s5 =	simm.s32 $_size__tile_overlayer_lowered;
	s6 =	simm.s32 $_tile_overlayer_lowered  }
0x9b: {  	s22 =	simm.s32 $0x1BFF;
	s21 =	sshll.u32 s6, $0x1;
	s3 =	sadd.s32 s4, s19  }
0x9c: {  	s7 =	simm.s32 $0x0;
	s20 =	sshll.u32 s5, $0x1;
	s5 =	sadd.s32 s21, s3  }
0x9d: {  	[timem:s7], [sflag:s22] =	dma.local [hbm:s5], s20  }
0x9e: {  	_ =	swait.ge [sflag:s22], s20  }
0x9f: {  	s4 =	ssub.s32 $0x0, s20;
	[sflag:s22] =	ssyncset.done $0x0  }
0xa0: {  	[sflag:s22] =	ssyncadd.s32 s4;
	_ =	sdelay $0x1  }
0xa1: {  	s23 =	simm.s32 $0x1B8B  }
0xa2: {  	_ =	swait.ge [sflag:s23], $0x1  }
0xa3: {  	[sflag:s23] =	ssyncset.done $0x0  }
0xa4: {  	s25 =	simm.s32 $0x1B8E;
	s24 =	sld [smem:$0x3FFE];
	[sflag:s23] =	ssyncadd.s32 $0xFFFFFFFF  }
0xa5: {  	s26 =	simm.s32 $execute0_lowered;
	[smem:$0x3FD2] =	sst s25  }
0xa6: {  	s5 =	sshll.u32 s26, $0x1;
	_ =	strace $0x80000046;
	[dreg:$0x1] =	wrdreg $0xFFFFFFFF  }
0xa7: {  	s28 =	simm.s32 $_size_execute0_lowered;
	s3 =	sadd.s32 s3, s5;
	[dreg:$0x0] =	wrdreg $0x0  }
0xa8: {  	s5 =	sshll.u32 s28, $0x1;
	[dreg:$0x2] =	wrdreg s3  }
0xa9: {  	[dreg:$0x3] =	wrdreg s5  }
0xaa: {  	[dreg:$0x4] =	wrdreg $0xC0  }
0xab: {  	_ =	task [dreg:s7], $0x5FFFF  }
0xac: {  	[dreg:$0x1] =	wrdreg $0xFFFFFFFF  }
0xad: {  	[dreg:$0x0] =	wrdreg $0x60  }
0xae: {  	[dreg:$0x2] =	wrdreg s24  }
0xaf: {  	[dreg:$0x3] =	wrdreg s2  }
0xb0: {  	[dreg:$0x4] =	wrdreg $0xDC100  }
0xb1: {  	[dreg:$0x5] =	wrdreg $0x9  }
0xb2: {  	_ =	task.clear_ibuf [dreg:s7], $0x6FFFF;
	_ =	strace $0x90000046  }
0xb3: {  	s29 =	simm.s32 $0x9;
	_ =	strace $0x80000048  }
0xb4: {  	_ =	swait.ge [sflag:s29], $0x1  }
0xb5: {  	[sflag:s29] =	ssyncadd.s32 $0xFFFFFFFF  }
0xb6: {  	_ =	strace $0x90000048  }
0xb7: {  	_ =	sfence  }
0xb8: {  	s30 =	sld [smem:$0x0];
	_ =	sdelay $0x2  }
0xb9: {  	s31 =	sshll.u32 s1, $0xD;
	s1 =	sshrl.u32 s1, $0x2  }
0xba: {  	s3 =	sand.u32 $0x4000, s31;
	s1 =	sadd.s32 s1, s30  }
0xbb: {  	s0 =	sor.u32 s3, s0;
	s1 =	sshll.u32 s1, $0x11  }
0xbc: {  	s0 =	sor.u32 s1, s0  }
0xbd: {  	s0 =	sadd.s32 $0x8F2B, s0  }
0xbe: {  	[sflag:s0] =	ssyncadd.remote.s32 $0x1  }
0xbf: {  	_ =	sfence.sel $0xFFFF  }
0xc0: {  	[dreg:$0x0] =	wrdreg $0xFFFFFFFF;
	(pc) =	sbr.abs _section_cstart, $3  }
0xc1: {  	[dreg:$0x1] =	wrdreg $0xFFFFFFFF  }
0xc2: {  	_ =	task.clear_ibuf [dreg:s7], $0x2FFFF;
	_ =	strace $0x9FFFFFFF  }
0xc3: {  	(tm) =	ssettm $0x7FFFFFFF  }
tec
execute0_lowered:
.L_overlay_start_1:
0x0: {  	(tag) =	ssettag $0x1  }
0x1: {  	s6 =	rddreg [dreg:$0x0]  }
0x2: {  	s2 =	rddreg [dreg:$0x1];
	s1 =	srdreg.scid  }
0x3: {  	s0 =	stileid.u32;
	s3 =	rddreg [dreg:$0x2];
	s4 =	simm.s32 $0x0  }
0x4: {  	s11 =	simm.s32 $0x50;
	s12 =	simm.s32 $0xC350;
	s13 =	simm.s32 $0x0  }
0x5: {  	s5 =	sand.u32 $0x1, s1;
	s7 =	smul.u32 $0x1870, s0;
	s1 =	rddreg [dreg:$0x3]  }
0x6: {  	[smem:$0x7FF] =	sst s4;
	s8 =	smul.u32 $0x18700, s5;
	s9 =	sshll.u32 s5, $0x4  }
0x7: {  	s5 =	ssub.s32 $0x2, s5;
	_ =	strace $0x80000047;
	s9 =	sor.u32 s0, s9  }
0x8: {  	s10 =	sshrl.u32 s5, $0x1;
	s8 =	sadd.s32 s7, s8;
	s9 =	smul.u32 $0x186A, s9  }
0x9: {  	s10 =	ssub.s32 s5, s10;
	s5 =	sadd.s32 s7, s3;
	s8 =	sshrl.u32 s8, $0x3  }
0xa: {  	s8 =	sadd.s32 s8, s6;
	s6 =	sadd.s32 s6, s9;
	s9 =	simm.s32 $0xC3A0  }
0xb: {  	v0 =	vimm.f32 $1.000000000e+00;
	s7 =	sadd.s32 $0x30E00, s8;
	s8 =	smax.u32 s10, $0x1;
	s10 =	simm.s32 $0x1  }
.LBB2_1:
0xc: {  	[tilespmem:$0xC350] =	vst v0  }
0xd: {  	[tilespmem:$0xC360] =	vst v0  }
0xe: {  	[tilespmem:$0xC370] =	vst v0  }
0xf: {  	[tilespmem:$0xC380] =	vst v0  }
0x10: {  	[tilespmem:$0xC390] =	vst v0  }
0x11: {  	[tilespmem:s9], [sflag:$0x1] =	stream.linear.gather [hbm4b:s2+s4], $0x1870, $0x38;
	[tilespmem:$0xF480] =	vst v63  }
0x12: {  	_ =	swait.ge [sflag:s10], $0x1870  }
0x13: {  	[sflag:s10] =	ssyncset.done $0x0  }
0x14: {  	[sflag:s10] =	ssyncadd.s32 $0xFFFFE790  }
0x15: {  	[spmem:s5] =	stream.linear.scatter [tilespmem:s9], [sflag:$0x1], $0x1870, $0x38;
	[tilespmem:$0xF480] =	vst v63  }
0x16: {  	_ =	swait.ge [sflag:s10], $0x1870  }
0x17: {  	[sflag:s10] =	ssyncset.done $0x0  }
0x18: {  	[sflag:s10] =	ssyncadd.s32 $0xFFFFE790  }
0x19: {  	[bflag:$0x0] =	sbarrier.arrive $0xFFFF  }
0x1a: {  	[tilespmem:s4], [sflag:$0x1] =	stream.linear.gather [hbm4b:s6+s4], $0xC350, $0x38;
	[tilespmem:$0xF480] =	vst v63  }
0x1b: {  	_ =	swait.ge [sflag:s10], $0xC350  }
0x1c: {  	[sflag:s10] =	ssyncset.done $0x0  }
0x1d: {  	s14 =	simm.s32 $0x0;
	[sflag:s10] =	ssyncadd.s32 $0xFFFF3CB0  }
0x1e: {  	[spmem:s3] =	stream.indirect.scatter.add.f32 [tilespmem:s12], [sflag:$0x1], $0x1, s14, s11, $0xb8;
	[tilespmem:$0xF480] =	vst v63  }
0x1f: {  	_ =	swait.ge [sflag:s10], $0x50  }
0x20: {  	s14 =	simm.s32 $0x140;
	[sflag:s10] =	ssyncset.done $0x0  }
.LBB2_2:
0x21: {  	s15 =	sshra.s32 s14, $0x2;
	[sflag:s10] =	ssyncadd.s32 $0xFFFFFFB0;
	p0 =	sne.s32 s14, $0x30C00  }
0x22: {  	[spmem:s3] =	stream.indirect.scatter.add.f32 [tilespmem:s12], [sflag:$0x1], $0x1, s15, s11, $0xb8;
	[tilespmem:$0xF480] =	vst v63  }
.Ltmp0:
0x23: {  	_ = 	snop;
	(pc) =	sbr.rel @p0 .LBB2_2-.Ltmp0, $4  }
0x24: {  	_ = 	snop  }
0x25: {  	s14 =	sadd.s32 $0x140, s14  }
0x26: {  	_ =	swait.ge [sflag:s10], $0x50  }
0x27: {  	[sflag:s10] =	ssyncset.done $0x0  }
0x28: {  	[sflag:s10] =	ssyncadd.s32 $0xFFFFFFB0  }
0x29: {  	[bflag:$0x0] =	sbarrier.arrive $0xFFFF  }
0x2a: {  	[tilespmem:s9], [sflag:$0x1] =	stream.linear.gather [spmem:s5], $0x1870, $0x38;
	[tilespmem:$0xF480] =	vst v63  }
0x2b: {  	s13 =	sadd.s32 $0x1, s13;
	_ =	swait.ge [sflag:s10], $0x1870  }
0x2c: {  	p0 =	sne.s32 s13, s8;
	[sflag:s10] =	ssyncset.done $0x0  }
.Ltmp1:
0x2d: {  	[sflag:s10] =	ssyncadd.s32 $0xFFFFE790;
	(pc) =	sbr.rel @p0 .LBB2_1-.Ltmp1, $4  }
0x2e: {  	[hbm4b:s7+s4] =	stream.linear.scatter [tilespmem:s9], [sflag:$0x1], $0x1870, $0x38;
	[tilespmem:$0xF480] =	vst v63  }
0x2f: {  	_ =	swait.ge [sflag:s10], $0x1870  }
0x30: {  	[sflag:s10] =	ssyncset.done $0x0  }
0x31: {  	[sflag:s10] =	ssyncadd.s32 $0xFFFFE790  }
0x32: {  	_ =	sfence.sel $0x180000  }
0x33: {  	[bflag:$0x0] =	sbarrier.arrive $0xFFFF  }
0x34: {  	p0 =	sne.s32 s0, $0x0;
	_ =	strace $0x90000047  }
0x35: {  	s0 =	sadd.s32 @!p0 $0x100000, s1;
	[bflag:$0x2] =	sbarrier.arrive $0xFFFF  }
0x36: {  	[sflag:s0] =	ssyncadd.tile.s32 @!p0 $0x1;
	_ =	shalt  }
.Lfunc_end2:
_tile_overlayer_lowered:
.L_overlay_start_2:
0x37: {  	(tag) =	ssettag $0x2  }
0x38: {  	s0 =	rddreg [dreg:$0x0];
	s2 =	stileid.u32  }
0x39: {  	s1 =	rddreg [dreg:$0x1];
	p0 =	sne.s32 s2, $0x0  }
0x3a: {  	s3 =	rddreg [dreg:$0x2];
	[bflag:$0x3] =	sbarrier.arrive $0xFFFF;
	s2 =	simm.s32 @!p0 $0x1C01  }
0x3b: {  	[timem:s3], [sflag:s2] =	dma.local @!p0 [hbm:s0], s1  }
0x3c: {  	s0 =	simm.s32 @!p0 $0x1  }
0x3d: {  	_ =	swait.ge @!p0 [sflag:s0], s1  }
0x3e: {  	s1 =	ssub.s32 @!p0 $0x0, s1;
	[sflag:s0] =	ssyncset.done @!p0 $0x0  }
0x3f: {  	[sflag:s0] =	ssyncadd.s32 @!p0 s1  }
0x40: {  	[bflag:$0x3] =	sbarrier.arrive $0xFFFF  }
0x41: {  	_ =	shalt  }

</sc_bundles>
